<compile_context>
chip_gen: v7x
topology: tpu7x:2x2x1
jax: 0.10.2.dev20260603
libtpu: 0.0.44.dev20260713+nightly
codegen_flags: <defaults>
</compile_context>

<pallas_src>
import functools

import jax
import jax.numpy as jnp
from jax import lax
from jax.experimental import pallas as pl
from jax.experimental.pallas import tpu as pltpu
from jax.experimental.pallas import tpu_sc as plsc

D_MODEL = 64
DPAD = 128
SCALE = 8.0
NC = 2
NS = 16
NW = NC * NS
BATCH = 4096
SEQ = 200
SB = BATCH // NW
VOCAB = 1000000

_mesh = plsc.VectorSubcoreMesh(core_axis_name="c", subcore_axis_name="s")


@functools.partial(
    pl.kernel,
    mesh=_mesh,
    out_type=jax.ShapeDtypeStruct((SEQ, D_MODEL, BATCH), jnp.float32),
    scratch_types=[
        pltpu.VMEM((SEQ, SB), jnp.int32),
        pltpu.VMEM((2, SB, DPAD), jnp.float32),
        pltpu.VMEM((2, D_MODEL, SB), jnp.float32),
        pltpu.SemaphoreType.DMA((2,)),
        pltpu.SemaphoreType.DMA((2,)),
    ],
    compiler_params=pltpu.CompilerParams(
        use_tc_tiling_on_sc=True, needs_layout_passes=False
    ),
)
def _emb_lookup(xt_hbm, lutp_hbm, out_hbm, idx_all, rows_v, tbuf, sem_g, sem_o):
    wid = lax.axis_index("s") * NC + lax.axis_index("c")
    wbase = wid * SB

    pltpu.sync_copy(xt_hbm.at[pl.ds(0, SEQ), pl.ds(wbase, SB)], idx_all)

    def fire_gather(j, slot):
        pltpu.async_copy(
            lutp_hbm.at[idx_all.at[j]],
            rows_v.at[slot],
            sem_g.at[slot],
        )

    def wait_gather(slot):
        pltpu.make_async_copy(
            lutp_hbm.at[pl.ds(0, SB)],
            rows_v.at[0],
            sem_g.at[slot],
        ).wait()

    def fire_out(j, slot):
        pltpu.async_copy(
            tbuf.at[slot],
            out_hbm.at[j, pl.ds(0, D_MODEL), pl.ds(wbase, SB)],
            sem_o.at[slot],
        )

    def wait_out(slot):
        pltpu.make_async_copy(
            tbuf.at[0],
            out_hbm.at[0, pl.ds(0, D_MODEL), pl.ds(wbase, SB)],
            sem_o.at[slot],
        ).wait()

    iota16 = lax.iota(jnp.int32, 16)
    bases = [(iota16 + 16 * g) * DPAD for g in range(SB // 16)]

    def transpose_block(slot):
        rflat = rows_v.at[slot].reshape(SB * DPAD)

        @functools.partial(plsc.parallel_loop, 0, D_MODEL, unroll=4)
        def _(d):
            for g in range(SB // 16):
                v = plsc.load_gather(rflat, [bases[g] + d])
                tbuf[slot, d, pl.ds(16 * g, 16)] = v

    def step(j, slot):
        fire_gather(j, slot)
        wait_gather(slot)
        transpose_block(slot)
        fire_out(j, slot)
        wait_out(slot)

    def pair_body(i, c):
        step(2 * i, 0)
        step(2 * i + 1, 1)
        return c

    lax.fori_loop(0, SEQ // 2, pair_body, 0)


def kernel(x, lut):
    lutp = jnp.pad(lut * SCALE, ((0, 0), (0, DPAD - D_MODEL)))
    outp = _emb_lookup(x.T, lutp)
    return outp.transpose(2, 0, 1)

# --- scband reference (transcript-rebuilt; emitter-appended) ---
"""Pipeline reference for scband-embedding-24979529794151 (READ-ONLY COPY).

The authoritative reference and input builder live on the scoring server;
editing this copy changes nothing except your own understanding.
"""

import jax, jax.numpy as jnp
import numpy as np
import math

D_MODEL = 64
VOCAB = 1000000

def setup_inputs(seed: int = 0) -> dict:
    key = jax.random.key(seed)
    k1, k2 = jax.random.split(key)
    x = jax.random.randint(k1, (4096, 200), 0, VOCAB, dtype=jnp.int64 if jax.config.jax_enable_x64 else jnp.int32).astype(jnp.int32)
    lut = jax.random.normal(k2, (VOCAB, D_MODEL), dtype=jnp.float32)
    return {"x": x, "lut": lut}

def reference(x, lut):
    # nn.Embedding lookup followed by scaling with sqrt(d_model)
    emb = jnp.take(lut, x, axis=0)
    return emb * math.sqrt(D_MODEL)

if __name__ == "__main__":
    import jax
    _d = setup_inputs()
    print(jax.jit(kernel)(*tuple(_d.values())))

</pallas_src>

<mosaic_0001>
#map = affine_map<(d0, d1) -> (0, 0)>
#map1 = affine_map<(d0, d1) -> (0, 0, 0)>
module attributes {stable_mosaic.version = 14 : i64} {
  func.func @_emb_lookup(%arg0: i32, %arg1: i32, %arg2: memref<200x4096xi32, #tpu.memory_space<hbm>>, %arg3: memref<1000000x128xf32, #tpu.memory_space<hbm>>, %arg4: memref<200x64x4096xf32, #tpu.memory_space<hbm>>, %arg5: memref<200x128xi32, #tpu.memory_space<vmem>>, %arg6: memref<2x128x128xf32, #tpu.memory_space<vmem>>, %arg7: memref<2x64x128xf32, #tpu.memory_space<vmem>>, %arg8: memref<2x!tpu.dma_semaphore, #tpu.memory_space<semaphore_mem>>, %arg9: memref<2x!tpu.dma_semaphore, #tpu.memory_space<semaphore_mem>>) attributes {dimension_semantics = [#tpu.dimension_semantics<core_parallel>, #tpu.dimension_semantics<subcore_parallel>], iteration_bounds = array<i64: 2, 16>, scalar_prefetch = 0 : i64, scratch_operands = 5 : i64, tpu.core_type = #tpu.core_type<sc_vector_subcore>, window_params = [{transform_indices = #map}, {transform_indices = #map}, {transform_indices = #map1}]} {
    %mul3A = arith.constant 2 : i32
    %mul3A_0 = arith.muli %arg1, %mul3A : i32
    %add3A = arith.addi %mul3A_0, %arg0 : i32
    %mul3A_1 = arith.constant 128 : i32
    %mul3A_2 = arith.muli %add3A, %mul3A_1 : i32
    "tpu.region"() ({
      %run_scoped3A = tpu.sem_alloc : memref<!tpu.dma_semaphore, #tpu.memory_space<semaphore_mem>>
      %dma_start3A = arith.constant 0 : i32
      %dma_start3A_56 = tpu.memref_slice %arg2[%dma_start3A, %mul3A_2] : memref<200x4096xi32, #tpu.memory_space<hbm>> -> memref<200x128xi32, #tpu.memory_space<hbm>>
      %dma_start3A_57 = arith.constant 0 : i32
      %dma_start3A_58 = tpu.memref_slice %arg2[%dma_start3A_57, %mul3A_2] : memref<200x4096xi32, #tpu.memory_space<hbm>> -> memref<200x128xi32, #tpu.memory_space<hbm>>
      tpu.enqueue_dma source(%dma_start3A_58 : memref<200x128xi32, #tpu.memory_space<hbm>>) target(%arg5 : memref<200x128xi32, #tpu.memory_space<vmem>>) target_semaphore(%run_scoped3A : memref<!tpu.dma_semaphore, #tpu.memory_space<semaphore_mem>>)
      %dma_wait3A = arith.constant 0 : i32
      %dma_wait3A_59 = tpu.memref_slice %arg2[%dma_wait3A, %mul3A_2] : memref<200x4096xi32, #tpu.memory_space<hbm>> -> memref<200x128xi32, #tpu.memory_space<hbm>>
      %dma_wait3A_60 = arith.constant 0 : i32
      %dma_wait3A_61 = tpu.memref_slice %arg2[%dma_wait3A_60, %mul3A_2] : memref<200x4096xi32, #tpu.memory_space<hbm>> -> memref<200x128xi32, #tpu.memory_space<hbm>>
      tpu.wait_dma2 semaphore(%run_scoped3A : memref<!tpu.dma_semaphore, #tpu.memory_space<semaphore_mem>>) src(%dma_wait3A_61 : memref<200x128xi32, #tpu.memory_space<hbm>>) dst(%arg5 : memref<200x128xi32, #tpu.memory_space<vmem>>)
      tpu.yield
    }) : () -> ()
    %iota3A = tpu.iota {dimensions = array<i32: 0>} : vector<16xi32>
    %add3A_3 = arith.constant 0 : i32
    %add3A_4 = vector.broadcast %add3A_3 : i32 to vector<16xi32>
    %add3A_5 = arith.addi %iota3A, %add3A_4 : vector<16xi32>
    %mul3A_6 = arith.constant 128 : i32
    %mul3A_7 = vector.broadcast %mul3A_6 : i32 to vector<16xi32>
    %mul3A_8 = arith.muli %add3A_5, %mul3A_7 : vector<16xi32>
    %add3A_9 = arith.constant 16 : i32
    %add3A_10 = vector.broadcast %add3A_9 : i32 to vector<16xi32>
    %add3A_11 = arith.addi %iota3A, %add3A_10 : vector<16xi32>
    %mul3A_12 = arith.constant 128 : i32
    %mul3A_13 = vector.broadcast %mul3A_12 : i32 to vector<16xi32>
    %mul3A_14 = arith.muli %add3A_11, %mul3A_13 : vector<16xi32>
    %add3A_15 = arith.constant 32 : i32
    %add3A_16 = vector.broadcast %add3A_15 : i32 to vector<16xi32>
    %add3A_17 = arith.addi %iota3A, %add3A_16 : vector<16xi32>
    %mul3A_18 = arith.constant 128 : i32
    %mul3A_19 = vector.broadcast %mul3A_18 : i32 to vector<16xi32>
    %mul3A_20 = arith.muli %add3A_17, %mul3A_19 : vector<16xi32>
    %add3A_21 = arith.constant 48 : i32
    %add3A_22 = vector.broadcast %add3A_21 : i32 to vector<16xi32>
    %add3A_23 = arith.addi %iota3A, %add3A_22 : vector<16xi32>
    %mul3A_24 = arith.constant 128 : i32
    %mul3A_25 = vector.broadcast %mul3A_24 : i32 to vector<16xi32>
    %mul3A_26 = arith.muli %add3A_23, %mul3A_25 : vector<16xi32>
    %add3A_27 = arith.constant 64 : i32
    %add3A_28 = vector.broadcast %add3A_27 : i32 to vector<16xi32>
    %add3A_29 = arith.addi %iota3A, %add3A_28 : vector<16xi32>
    %mul3A_30 = arith.constant 128 : i32
    %mul3A_31 = vector.broadcast %mul3A_30 : i32 to vector<16xi32>
    %mul3A_32 = arith.muli %add3A_29, %mul3A_31 : vector<16xi32>
    %add3A_33 = arith.constant 80 : i32
    %add3A_34 = vector.broadcast %add3A_33 : i32 to vector<16xi32>
    %add3A_35 = arith.addi %iota3A, %add3A_34 : vector<16xi32>
    %mul3A_36 = arith.constant 128 : i32
    %mul3A_37 = vector.broadcast %mul3A_36 : i32 to vector<16xi32>
    %mul3A_38 = arith.muli %add3A_35, %mul3A_37 : vector<16xi32>
    %add3A_39 = arith.constant 96 : i32
    %add3A_40 = vector.broadcast %add3A_39 : i32 to vector<16xi32>
    %add3A_41 = arith.addi %iota3A, %add3A_40 : vector<16xi32>
    %mul3A_42 = arith.constant 128 : i32
    %mul3A_43 = vector.broadcast %mul3A_42 : i32 to vector<16xi32>
    %mul3A_44 = arith.muli %add3A_41, %mul3A_43 : vector<16xi32>
    %add3A_45 = arith.constant 112 : i32
    %add3A_46 = vector.broadcast %add3A_45 : i32 to vector<16xi32>
    %add3A_47 = arith.addi %iota3A, %add3A_46 : vector<16xi32>
    %mul3A_48 = arith.constant 128 : i32
    %mul3A_49 = vector.broadcast %mul3A_48 : i32 to vector<16xi32>
    %mul3A_50 = arith.muli %add3A_47, %mul3A_49 : vector<16xi32>
    %scan3A = arith.constant 0 : i32
    %scan3A_51 = arith.constant 0 : i32
    %scan3A_52 = arith.constant 100 : i32
    %scan3A_53 = arith.addi %scan3A_51, %scan3A_52 : i32
    %scan3A_54 = arith.constant 1 : i32
    scf.for %scan3A_56 = %scan3A_51 to %scan3A_53 step %scan3A_54  : i32 {
      %mul3A_57 = arith.constant 2 : i32
      %mul3A_58 = arith.muli %mul3A_57, %scan3A_56 : i32
      %dma_start3A = arith.constant 0 : i32
      %dma_start3A_59 = arith.constant 0 : i32
      %dma_start3A_60 = arith.constant 0 : i32
      %dma_start3A_61 = arith.constant 0 : i32
      %dma_start3A_62 = tpu.memref_slice %arg6[%dma_start3A, %dma_start3A_60, %dma_start3A_61] : memref<2x128x128xf32, #tpu.memory_space<vmem>> -> memref<1x128x128xf32, #tpu.memory_space<vmem>>
      %dma_start3A_63 = tpu.memref_squeeze %dma_start3A_62 : memref<1x128x128xf32, #tpu.memory_space<vmem>> -> memref<128x128xf32, #tpu.memory_space<vmem>>
      %dma_start3A_64 = arith.constant 0 : i32
      %dma_start3A_65 = tpu.memref_slice %arg5[%mul3A_58, %dma_start3A_64] : memref<200x128xi32, #tpu.memory_space<vmem>> -> memref<1x128xi32, #tpu.memory_space<vmem>>
      %dma_start3A_66 = tpu.memref_squeeze %dma_start3A_65 : memref<1x128xi32, #tpu.memory_space<vmem>> -> memref<128xi32, #tpu.memory_space<vmem>>
      %dma_start3A_67 = arith.constant 0 : i32
      %dma_start3A_68 = arith.constant 0 : i32
      %dma_start3A_69 = tpu.memref_slice %arg3[%dma_start3A_67, %dma_start3A_68] : memref<1000000x128xf32, #tpu.memory_space<hbm>> -> memref<1000000x128xf32, #tpu.memory_space<hbm>>
      %dma_start3A_70 = tpu.memref_slice %arg8[%dma_start3A_59] : memref<2x!tpu.dma_semaphore, #tpu.memory_space<semaphore_mem>> -> memref<1x!tpu.dma_semaphore, #tpu.memory_space<semaphore_mem>>
      %dma_start3A_71 = tpu.memref_squeeze %dma_start3A_70 : memref<1x!tpu.dma_semaphore, #tpu.memory_space<semaphore_mem>> -> memref<!tpu.dma_semaphore, #tpu.memory_space<semaphore_mem>>
      tpu.enqueue_indirect_dma source(%dma_start3A_69 : memref<1000000x128xf32, #tpu.memory_space<hbm>>) target(%dma_start3A_63 : memref<128x128xf32, #tpu.memory_space<vmem>>) offsets(%dma_start3A_66 : memref<128xi32, #tpu.memory_space<vmem>>) semaphore(%dma_start3A_71 : memref<!tpu.dma_semaphore, #tpu.memory_space<semaphore_mem>>)
      %dma_wait3A = arith.constant 0 : i32
      %dma_wait3A_72 = arith.constant 0 : i32
      %dma_wait3A_73 = arith.constant 0 : i32
      %dma_wait3A_74 = arith.constant 0 : i32
      %dma_wait3A_75 = tpu.memref_slice %arg6[%dma_wait3A, %dma_wait3A_73, %dma_wait3A_74] : memref<2x128x128xf32, #tpu.memory_space<vmem>> -> memref<1x128x128xf32, #tpu.memory_space<vmem>>
      %dma_wait3A_76 = tpu.memref_squeeze %dma_wait3A_75 : memref<1x128x128xf32, #tpu.memory_space<vmem>> -> memref<128x128xf32, #tpu.memory_space<vmem>>
      %dma_wait3A_77 = arith.constant 0 : i32
      %dma_wait3A_78 = arith.constant 0 : i32
      %dma_wait3A_79 = tpu.memref_slice %arg3[%dma_wait3A_77, %dma_wait3A_78] : memref<1000000x128xf32, #tpu.memory_space<hbm>> -> memref<128x128xf32, #tpu.memory_space<hbm>>
      %dma_wait3A_80 = tpu.memref_slice %arg8[%dma_wait3A_72] : memref<2x!tpu.dma_semaphore, #tpu.memory_space<semaphore_mem>> -> memref<1x!tpu.dma_semaphore, #tpu.memory_space<semaphore_mem>>
      %dma_wait3A_81 = tpu.memref_squeeze %dma_wait3A_80 : memref<1x!tpu.dma_semaphore, #tpu.memory_space<semaphore_mem>> -> memref<!tpu.dma_semaphore, #tpu.memory_space<semaphore_mem>>
      %dma_wait3A_82 = arith.constant 0 : i32
      %dma_wait3A_83 = arith.constant 0 : i32
      %dma_wait3A_84 = tpu.memref_slice %arg6[%dma_wait3A, %dma_wait3A_82, %dma_wait3A_83] : memref<2x128x128xf32, #tpu.memory_space<vmem>> -> memref<1x128x128xf32, #tpu.memory_space<vmem>>
      %dma_wait3A_85 = tpu.memref_squeeze %dma_wait3A_84 : memref<1x128x128xf32, #tpu.memory_space<vmem>> -> memref<128x128xf32, #tpu.memory_space<vmem>>
      %dma_wait3A_86 = arith.constant 0 : i32
      %dma_wait3A_87 = arith.constant 0 : i32
      %dma_wait3A_88 = tpu.memref_slice %arg3[%dma_wait3A_86, %dma_wait3A_87] : memref<1000000x128xf32, #tpu.memory_space<hbm>> -> memref<128x128xf32, #tpu.memory_space<hbm>>
      tpu.wait_dma2 semaphore(%dma_wait3A_81 : memref<!tpu.dma_semaphore, #tpu.memory_space<semaphore_mem>>) src(%dma_wait3A_88 : memref<128x128xf32, #tpu.memory_space<hbm>>) dst(%dma_wait3A_85 : memref<128x128xf32, #tpu.memory_space<vmem>>)
      %dma_start3A_89 = arith.constant 0 : i32
      %dma_start3A_90 = arith.constant 0 : i32
      %dma_start3A_91 = arith.constant 0 : i32
      %dma_start3A_92 = arith.constant 0 : i32
      %dma_start3A_93 = tpu.memref_slice %arg7[%dma_start3A_89, %dma_start3A_91, %dma_start3A_92] : memref<2x64x128xf32, #tpu.memory_space<vmem>> -> memref<1x64x128xf32, #tpu.memory_space<vmem>>
      %dma_start3A_94 = tpu.memref_squeeze %dma_start3A_93 : memref<1x64x128xf32, #tpu.memory_space<vmem>> -> memref<64x128xf32, #tpu.memory_space<vmem>>
      %dma_start3A_95 = arith.constant 0 : i32
      %dma_start3A_96 = tpu.memref_slice %arg4[%mul3A_58, %dma_start3A_95, %mul3A_2] : memref<200x64x4096xf32, #tpu.memory_space<hbm>> -> memref<1x64x128xf32, #tpu.memory_space<hbm>>
      %dma_start3A_97 = tpu.memref_squeeze %dma_start3A_96 : memref<1x64x128xf32, #tpu.memory_space<hbm>> -> memref<64x128xf32, #tpu.memory_space<hbm>>
      %dma_start3A_98 = tpu.memref_slice %arg9[%dma_start3A_90] : memref<2x!tpu.dma_semaphore, #tpu.memory_space<semaphore_mem>> -> memref<1x!tpu.dma_semaphore, #tpu.memory_space<semaphore_mem>>
      %dma_start3A_99 = tpu.memref_squeeze %dma_start3A_98 : memref<1x!tpu.dma_semaphore, #tpu.memory_space<semaphore_mem>> -> memref<!tpu.dma_semaphore, #tpu.memory_space<semaphore_mem>>
      %dma_start3A_100 = arith.constant 0 : i32
      %dma_start3A_101 = tpu.memref_slice %arg4[%mul3A_58, %dma_start3A_100, %mul3A_2] : memref<200x64x4096xf32, #tpu.memory_space<hbm>> -> memref<1x64x128xf32, #tpu.memory_space<hbm>>
      %dma_start3A_102 = tpu.memref_squeeze %dma_start3A_101 : memref<1x64x128xf32, #tpu.memory_space<hbm>> -> memref<64x128xf32, #tpu.memory_space<hbm>>
      %dma_start3A_103 = arith.constant 0 : i32
      %dma_start3A_104 = arith.constant 0 : i32
      %dma_start3A_105 = tpu.memref_slice %arg7[%dma_start3A_89, %dma_start3A_103, %dma_start3A_104] : memref<2x64x128xf32, #tpu.memory_space<vmem>> -> memref<1x64x128xf32, #tpu.memory_space<vmem>>
      %dma_start3A_106 = tpu.memref_squeeze %dma_start3A_105 : memref<1x64x128xf32, #tpu.memory_space<vmem>> -> memref<64x128xf32, #tpu.memory_space<vmem>>
      tpu.enqueue_dma source(%dma_start3A_106 : memref<64x128xf32, #tpu.memory_space<vmem>>) target(%dma_start3A_102 : memref<64x128xf32, #tpu.memory_space<hbm>>) target_semaphore(%dma_start3A_99 : memref<!tpu.dma_semaphore, #tpu.memory_space<semaphore_mem>>)
      %dma_wait3A_107 = arith.constant 0 : i32
      %dma_wait3A_108 = arith.constant 0 : i32
      %dma_wait3A_109 = arith.constant 0 : i32
      %dma_wait3A_110 = arith.constant 0 : i32
      %dma_wait3A_111 = arith.constant 0 : i32
      %dma_wait3A_112 = tpu.memref_slice %arg7[%dma_wait3A_107, %dma_wait3A_110, %dma_wait3A_111] : memref<2x64x128xf32, #tpu.memory_space<vmem>> -> memref<1x64x128xf32, #tpu.memory_space<vmem>>
      %dma_wait3A_113 = tpu.memref_squeeze %dma_wait3A_112 : memref<1x64x128xf32, #tpu.memory_space<vmem>> -> memref<64x128xf32, #tpu.memory_space<vmem>>
      %dma_wait3A_114 = arith.constant 0 : i32
      %dma_wait3A_115 = tpu.memref_slice %arg4[%dma_wait3A_108, %dma_wait3A_114, %mul3A_2] : memref<200x64x4096xf32, #tpu.memory_space<hbm>> -> memref<1x64x128xf32, #tpu.memory_space<hbm>>
      %dma_wait3A_116 = tpu.memref_squeeze %dma_wait3A_115 : memref<1x64x128xf32, #tpu.memory_space<hbm>> -> memref<64x128xf32, #tpu.memory_space<hbm>>
      %dma_wait3A_117 = tpu.memref_slice %arg9[%dma_wait3A_109] : memref<2x!tpu.dma_semaphore, #tpu.memory_space<semaphore_mem>> -> memref<1x!tpu.dma_semaphore, #tpu.memory_space<semaphore_mem>>
      %dma_wait3A_118 = tpu.memref_squeeze %dma_wait3A_117 : memref<1x!tpu.dma_semaphore, #tpu.memory_space<semaphore_mem>> -> memref<!tpu.dma_semaphore, #tpu.memory_space<semaphore_mem>>
      %dma_wait3A_119 = arith.constant 0 : i32
      %dma_wait3A_120 = tpu.memref_slice %arg4[%dma_wait3A_108, %dma_wait3A_119, %mul3A_2] : memref<200x64x4096xf32, #tpu.memory_space<hbm>> -> memref<1x64x128xf32, #tpu.memory_space<hbm>>
      %dma_wait3A_121 = tpu.memref_squeeze %dma_wait3A_120 : memref<1x64x128xf32, #tpu.memory_space<hbm>> -> memref<64x128xf32, #tpu.memory_space<hbm>>
      %dma_wait3A_122 = arith.constant 0 : i32
      %dma_wait3A_123 = arith.constant 0 : i32
      %dma_wait3A_124 = tpu.memref_slice %arg7[%dma_wait3A_107, %dma_wait3A_122, %dma_wait3A_123] : memref<2x64x128xf32, #tpu.memory_space<vmem>> -> memref<1x64x128xf32, #tpu.memory_space<vmem>>
      %dma_wait3A_125 = tpu.memref_squeeze %dma_wait3A_124 : memref<1x64x128xf32, #tpu.memory_space<vmem>> -> memref<64x128xf32, #tpu.memory_space<vmem>>
      tpu.wait_dma2 semaphore(%dma_wait3A_118 : memref<!tpu.dma_semaphore, #tpu.memory_space<semaphore_mem>>) src(%dma_wait3A_125 : memref<64x128xf32, #tpu.memory_space<vmem>>) dst(%dma_wait3A_121 : memref<64x128xf32, #tpu.memory_space<hbm>>)
      %mul3A_126 = arith.constant 2 : i32
      %mul3A_127 = arith.muli %mul3A_126, %scan3A_56 : i32
      %add3A_128 = arith.constant 1 : i32
      %add3A_129 = arith.addi %mul3A_127, %add3A_128 : i32
      %dma_start3A_130 = arith.constant 1 : i32
      %dma_start3A_131 = arith.constant 1 : i32
      %dma_start3A_132 = arith.constant 0 : i32
      %dma_start3A_133 = arith.constant 0 : i32
      %dma_start3A_134 = tpu.memref_slice %arg6[%dma_start3A_130, %dma_start3A_132, %dma_start3A_133] : memref<2x128x128xf32, #tpu.memory_space<vmem>> -> memref<1x128x128xf32, #tpu.memory_space<vmem>>
      %dma_start3A_135 = tpu.memref_squeeze %dma_start3A_134 : memref<1x128x128xf32, #tpu.memory_space<vmem>> -> memref<128x128xf32, #tpu.memory_space<vmem>>
      %dma_start3A_136 = arith.constant 0 : i32
      %dma_start3A_137 = tpu.memref_slice %arg5[%add3A_129, %dma_start3A_136] : memref<200x128xi32, #tpu.memory_space<vmem>> -> memref<1x128xi32, #tpu.memory_space<vmem>>
      %dma_start3A_138 = tpu.memref_squeeze %dma_start3A_137 : memref<1x128xi32, #tpu.memory_space<vmem>> -> memref<128xi32, #tpu.memory_space<vmem>>
      %dma_start3A_139 = arith.constant 0 : i32
      %dma_start3A_140 = arith.constant 0 : i32
      %dma_start3A_141 = tpu.memref_slice %arg3[%dma_start3A_139, %dma_start3A_140] : memref<1000000x128xf32, #tpu.memory_space<hbm>> -> memref<1000000x128xf32, #tpu.memory_space<hbm>>
      %dma_start3A_142 = tpu.memref_slice %arg8[%dma_start3A_131] : memref<2x!tpu.dma_semaphore, #tpu.memory_space<semaphore_mem>> -> memref<1x!tpu.dma_semaphore, #tpu.memory_space<semaphore_mem>>
      %dma_start3A_143 = tpu.memref_squeeze %dma_start3A_142 : memref<1x!tpu.dma_semaphore, #tpu.memory_space<semaphore_mem>> -> memref<!tpu.dma_semaphore, #tpu.memory_space<semaphore_mem>>
      tpu.enqueue_indirect_dma source(%dma_start3A_141 : memref<1000000x128xf32, #tpu.memory_space<hbm>>) target(%dma_start3A_135 : memref<128x128xf32, #tpu.memory_space<vmem>>) offsets(%dma_start3A_138 : memref<128xi32, #tpu.memory_space<vmem>>) semaphore(%dma_start3A_143 : memref<!tpu.dma_semaphore, #tpu.memory_space<semaphore_mem>>)
      %dma_wait3A_144 = arith.constant 0 : i32
      %dma_wait3A_145 = arith.constant 1 : i32
      %dma_wait3A_146 = arith.constant 0 : i32
      %dma_wait3A_147 = arith.constant 0 : i32
      %dma_wait3A_148 = tpu.memref_slice %arg6[%dma_wait3A_144, %dma_wait3A_146, %dma_wait3A_147] : memref<2x128x128xf32, #tpu.memory_space<vmem>> -> memref<1x128x128xf32, #tpu.memory_space<vmem>>
      %dma_wait3A_149 = tpu.memref_squeeze %dma_wait3A_148 : memref<1x128x128xf32, #tpu.memory_space<vmem>> -> memref<128x128xf32, #tpu.memory_space<vmem>>
      %dma_wait3A_150 = arith.constant 0 : i32
      %dma_wait3A_151 = arith.constant 0 : i32
      %dma_wait3A_152 = tpu.memref_slice %arg3[%dma_wait3A_150, %dma_wait3A_151] : memref<1000000x128xf32, #tpu.memory_space<hbm>> -> memref<128x128xf32, #tpu.memory_space<hbm>>
      %dma_wait3A_153 = tpu.memref_slice %arg8[%dma_wait3A_145] : memref<2x!tpu.dma_semaphore, #tpu.memory_space<semaphore_mem>> -> memref<1x!tpu.dma_semaphore, #tpu.memory_space<semaphore_mem>>
      %dma_wait3A_154 = tpu.memref_squeeze %dma_wait3A_153 : memref<1x!tpu.dma_semaphore, #tpu.memory_space<semaphore_mem>> -> memref<!tpu.dma_semaphore, #tpu.memory_space<semaphore_mem>>
      %dma_wait3A_155 = arith.constant 0 : i32
      %dma_wait3A_156 = arith.constant 0 : i32
      %dma_wait3A_157 = tpu.memref_slice %arg6[%dma_wait3A_144, %dma_wait3A_155, %dma_wait3A_156] : memref<2x128x128xf32, #tpu.memory_space<vmem>> -> memref<1x128x128xf32, #tpu.memory_space<vmem>>
      %dma_wait3A_158 = tpu.memref_squeeze %dma_wait3A_157 : memref<1x128x128xf32, #tpu.memory_space<vmem>> -> memref<128x128xf32, #tpu.memory_space<vmem>>
      %dma_wait3A_159 = arith.constant 0 : i32
      %dma_wait3A_160 = arith.constant 0 : i32
      %dma_wait3A_161 = tpu.memref_slice %arg3[%dma_wait3A_159, %dma_wait3A_160] : memref<1000000x128xf32, #tpu.memory_space<hbm>> -> memref<128x128xf32, #tpu.memory_space<hbm>>
      tpu.wait_dma2 semaphore(%dma_wait3A_154 : memref<!tpu.dma_semaphore, #tpu.memory_space<semaphore_mem>>) src(%dma_wait3A_161 : memref<128x128xf32, #tpu.memory_space<hbm>>) dst(%dma_wait3A_158 : memref<128x128xf32, #tpu.memory_space<vmem>>)
      %dma_start3A_162 = arith.constant 1 : i32
      %dma_start3A_163 = arith.constant 1 : i32
      %dma_start3A_164 = arith.constant 0 : i32
      %dma_start3A_165 = arith.constant 0 : i32
      %dma_start3A_166 = tpu.memref_slice %arg7[%dma_start3A_162, %dma_start3A_164, %dma_start3A_165] : memref<2x64x128xf32, #tpu.memory_space<vmem>> -> memref<1x64x128xf32, #tpu.memory_space<vmem>>
      %dma_start3A_167 = tpu.memref_squeeze %dma_start3A_166 : memref<1x64x128xf32, #tpu.memory_space<vmem>> -> memref<64x128xf32, #tpu.memory_space<vmem>>
      %dma_start3A_168 = arith.constant 0 : i32
      %dma_start3A_169 = tpu.memref_slice %arg4[%add3A_129, %dma_start3A_168, %mul3A_2] : memref<200x64x4096xf32, #tpu.memory_space<hbm>> -> memref<1x64x128xf32, #tpu.memory_space<hbm>>
      %dma_start3A_170 = tpu.memref_squeeze %dma_start3A_169 : memref<1x64x128xf32, #tpu.memory_space<hbm>> -> memref<64x128xf32, #tpu.memory_space<hbm>>
      %dma_start3A_171 = tpu.memref_slice %arg9[%dma_start3A_163] : memref<2x!tpu.dma_semaphore, #tpu.memory_space<semaphore_mem>> -> memref<1x!tpu.dma_semaphore, #tpu.memory_space<semaphore_mem>>
      %dma_start3A_172 = tpu.memref_squeeze %dma_start3A_171 : memref<1x!tpu.dma_semaphore, #tpu.memory_space<semaphore_mem>> -> memref<!tpu.dma_semaphore, #tpu.memory_space<semaphore_mem>>
      %dma_start3A_173 = arith.constant 0 : i32
      %dma_start3A_174 = tpu.memref_slice %arg4[%add3A_129, %dma_start3A_173, %mul3A_2] : memref<200x64x4096xf32, #tpu.memory_space<hbm>> -> memref<1x64x128xf32, #tpu.memory_space<hbm>>
      %dma_start3A_175 = tpu.memref_squeeze %dma_start3A_174 : memref<1x64x128xf32, #tpu.memory_space<hbm>> -> memref<64x128xf32, #tpu.memory_space<hbm>>
      %dma_start3A_176 = arith.constant 0 : i32
      %dma_start3A_177 = arith.constant 0 : i32
      %dma_start3A_178 = tpu.memref_slice %arg7[%dma_start3A_162, %dma_start3A_176, %dma_start3A_177] : memref<2x64x128xf32, #tpu.memory_space<vmem>> -> memref<1x64x128xf32, #tpu.memory_space<vmem>>
      %dma_start3A_179 = tpu.memref_squeeze %dma_start3A_178 : memref<1x64x128xf32, #tpu.memory_space<vmem>> -> memref<64x128xf32, #tpu.memory_space<vmem>>
      tpu.enqueue_dma source(%dma_start3A_179 : memref<64x128xf32, #tpu.memory_space<vmem>>) target(%dma_start3A_175 : memref<64x128xf32, #tpu.memory_space<hbm>>) target_semaphore(%dma_start3A_172 : memref<!tpu.dma_semaphore, #tpu.memory_space<semaphore_mem>>)
      %dma_wait3A_180 = arith.constant 0 : i32
      %dma_wait3A_181 = arith.constant 0 : i32
      %dma_wait3A_182 = arith.constant 1 : i32
      %dma_wait3A_183 = arith.constant 0 : i32
      %dma_wait3A_184 = arith.constant 0 : i32
      %dma_wait3A_185 = tpu.memref_slice %arg7[%dma_wait3A_180, %dma_wait3A_183, %dma_wait3A_184] : memref<2x64x128xf32, #tpu.memory_space<vmem>> -> memref<1x64x128xf32, #tpu.memory_space<vmem>>
      %dma_wait3A_186 = tpu.memref_squeeze %dma_wait3A_185 : memref<1x64x128xf32, #tpu.memory_space<vmem>> -> memref<64x128xf32, #tpu.memory_space<vmem>>
      %dma_wait3A_187 = arith.constant 0 : i32
      %dma_wait3A_188 = tpu.memref_slice %arg4[%dma_wait3A_181, %dma_wait3A_187, %mul3A_2] : memref<200x64x4096xf32, #tpu.memory_space<hbm>> -> memref<1x64x128xf32, #tpu.memory_space<hbm>>
      %dma_wait3A_189 = tpu.memref_squeeze %dma_wait3A_188 : memref<1x64x128xf32, #tpu.memory_space<hbm>> -> memref<64x128xf32, #tpu.memory_space<hbm>>
      %dma_wait3A_190 = tpu.memref_slice %arg9[%dma_wait3A_182] : memref<2x!tpu.dma_semaphore, #tpu.memory_space<semaphore_mem>> -> memref<1x!tpu.dma_semaphore, #tpu.memory_space<semaphore_mem>>
      %dma_wait3A_191 = tpu.memref_squeeze %dma_wait3A_190 : memref<1x!tpu.dma_semaphore, #tpu.memory_space<semaphore_mem>> -> memref<!tpu.dma_semaphore, #tpu.memory_space<semaphore_mem>>
      %dma_wait3A_192 = arith.constant 0 : i32
      %dma_wait3A_193 = tpu.memref_slice %arg4[%dma_wait3A_181, %dma_wait3A_192, %mul3A_2] : memref<200x64x4096xf32, #tpu.memory_space<hbm>> -> memref<1x64x128xf32, #tpu.memory_space<hbm>>
      %dma_wait3A_194 = tpu.memref_squeeze %dma_wait3A_193 : memref<1x64x128xf32, #tpu.memory_space<hbm>> -> memref<64x128xf32, #tpu.memory_space<hbm>>
      %dma_wait3A_195 = arith.constant 0 : i32
      %dma_wait3A_196 = arith.constant 0 : i32
      %dma_wait3A_197 = tpu.memref_slice %arg7[%dma_wait3A_180, %dma_wait3A_195, %dma_wait3A_196] : memref<2x64x128xf32, #tpu.memory_space<vmem>> -> memref<1x64x128xf32, #tpu.memory_space<vmem>>
      %dma_wait3A_198 = tpu.memref_squeeze %dma_wait3A_197 : memref<1x64x128xf32, #tpu.memory_space<vmem>> -> memref<64x128xf32, #tpu.memory_space<vmem>>
      tpu.wait_dma2 semaphore(%dma_wait3A_191 : memref<!tpu.dma_semaphore, #tpu.memory_space<semaphore_mem>>) src(%dma_wait3A_198 : memref<64x128xf32, #tpu.memory_space<vmem>>) dst(%dma_wait3A_194 : memref<64x128xf32, #tpu.memory_space<hbm>>)
    }
    %scan3A_55 = arith.constant 100 : i32
    return
  }
}

</mosaic_0001>

<sc_bundles>
// kernel: kernel.3.cloned.1.call-start
scs
__scs_entry_jumppad:
0x0: {  	(pc) =	sbr.rel $0x88, $3  }
0x1: {  	(tag) =	ssettag $0x0;
	lr =	simm.s32 $0x1  }
0x2: {  	[smem:$0x3F9F] =	sst lr;
	_ =	strace $0xD0000000  }
0x3: {  	_ = 	snop  }
0x4: {  	_ = 	snop  }
0x5: {  	_ = 	snop  }
0x6: {  	_ = 	snop  }
0x7: {  	_ = 	snop  }
__scs_overlays_trampoline_lowered:
0x8: {  	[smem:$0x3FAE] =	sst s0  }
0x9: {  	[smem:$0x3FAF] =	sst s1  }
0xa: {  	[smem:$0x3FB0] =	sst s2  }
0xb: {  	[smem:$0x3FB1] =	sst s3  }
0xc: {  	[smem:$0x3FB2] =	sst s4  }
0xd: {  	[smem:$0x3FB3] =	sst s5  }
0xe: {  	[smem:$0x3FB4] =	sst s6  }
0xf: {  	[smem:$0x3FB5] =	sst s7  }
0x10: {  	[smem:$0x3FB6] =	sst s8  }
0x11: {  	[smem:$0x3FB7] =	sst s9;
	s0 =	simm.s32 @!p0 $0x0  }
0x12: {  	s1 =	sld [smem:$0x3F9D];
	s0 =	simm.s32 @p0 $0x1  }
0x13: {  	[smem:$0x3FB8] =	sst s0;
	s0 =	simm.s32 @!p1 $0x0  }
0x14: {  	s2 =	sld [smem:$0x3F9C];
	s0 =	simm.s32 @p1 $0x1  }
0x15: {  	[smem:$0x3FB9] =	sst s0;
	s0 =	simm.s32 @!p2 $0x0  }
0x16: {  	s3 =	sld [smem:$0x3FDB];
	s0 =	simm.s32 @p2 $0x1  }
0x17: {  	s4 =	simm.s32 $0x1BF5;
	[smem:$0x3FBB] =	sst s0  }
0x18: {  	s0 =	sld [smem:$0x3F9E];
	_ =	swait.ge [sflag:s4], $0x0  }
0x19: {  	s7 =	sld [smem:$0x3F9F]  }
0x1a: {  	s8 =	sadd.s32 $0xFFFFE003, lr  }
0x1b: {  	s9 =	sadd.s32 $0xFFFFFEF7, lr;
	s5 =	simm.s32 $0xFFFFFFFF;
	p2 =	slt.u32 s8, $0xFFFFF086  }
0x1c: {  	p1 =	slt.u32 s9, $0xF7A;
	s5 =	simm.s32 @!p2 $0x0  }
0x1d: {  	s5 =	simm.s32 @p1 $0x1;
	p0 =	seq.s32 s7, s2  }
0x1e: {  	s7 =	smul.u32 @!p0 $0xF7A, s2;
	p2 =	seq.s32 @!p0 s5, $0x0  }
0x1f: {  	s9 =	smul.u32 $0xF7A, s1;
	s8 =	simm.s32 @!p0 $0x1BF5;
	p2 =	por !p2, p0  }
0x20: {  	[sflag:s8] =	ssyncset.s32 @!p0 $0xFFFFF086;
	s6 =	sadd.s32 @!p0 s3, s7;
	s7 =	simm.s32 @!p0 $0x108  }
0x21: {  	s3 =	sadd.s32 s3, s9;
	s6 =	sadd.s32 @!p0 $0x88, s6;
	s7 =	simm.s32 @p2 $0x1082  }
0x22: {  	[simem:s7], [sflag:s8] =	dma.local @!p0 [hbm:s6], $0xF7A  }
0x23: {  	s9 =	sor.u32 $0xD0000000, s2;
	s6 =	simm.s32 $0x108;
	_ =	swait.ge @!p0 [sflag:s8], $0x0  }
0x24: {  	s3 =	sadd.s32 $0x88, s3;
	s6 =	simm.s32 @!p1 $0x1082;
	[sflag:s4] =	ssyncset.s32 $0xFFFFF086  }
0x25: {  	[simem:s6], [sflag:s4] =	dma.local [hbm:s3], $0xF7A  }
0x26: {  	[smem:$0x3F9F] =	sst s1;
	(tag) =	ssettag s2;
	_ =	strace s9  }
0x27: {  	s1 =	sld [smem:$0x3FAF]  }
0x28: {  	s2 =	sld [smem:$0x3FB0]  }
0x29: {  	s4 =	sld [smem:$0x3FB2]  }
0x2a: {  	p0 =	seq.s32 s5, $0x0;
	s5 =	sld [smem:$0x3FB3]  }
0x2b: {  	s6 =	sld [smem:$0x3FB4]  }
0x2c: {  	s7 =	sld [smem:$0x3FB5]  }
0x2d: {  	s3 =	simm.s32 $0x108;
	s8 =	sld [smem:$0x3FB6]  }
0x2e: {  	s3 =	simm.s32 @!p0 $0x1082;
	s9 =	sld [smem:$0x3FB7]  }
0x2f: {  	lr =	sadd.s32 s0, s3;
	s0 =	sld [smem:$0x3FAE]  }
0x30: {  	s3 =	sld [smem:$0x3FB1]  }
0x31: {  	[smem:$0x3FBA] =	sst s10  }
0x32: {  	s10 =	sld [smem:$0x3FB8];
	_ =	sdelay $0x3  }
0x33: {  	p0 =	seq.s32 s10, $0x1;
	s10 =	sld [smem:$0x3FBA];
	_ =	sdelay $0x3  }
0x34: {  	[smem:$0x3FBA] =	sst s10  }
0x35: {  	s10 =	sld [smem:$0x3FB9];
	_ =	sdelay $0x3  }
0x36: {  	p1 =	seq.s32 s10, $0x1;
	s10 =	sld [smem:$0x3FBA];
	_ =	sdelay $0x3  }
0x37: {  	[smem:$0x3FBA] =	sst s10  }
0x38: {  	s10 =	sld [smem:$0x3FBB]  }
0x39: {  	_ = 	snop;
	(pc) =	sbr.ind lr, $3  }
0x3a: {  	_ = 	snop  }
0x3b: {  	_ = 	snop  }
0x3c: {  	p2 =	seq.s32 s10, $0x1;
	s10 =	sld [smem:$0x3FBA]  }
0x3d: {  	_ =	shalt  }
0x3e: {  	_ =	shalt  }
0x3f: {  	_ =	shalt  }
0x40: {  	_ =	shalt  }
0x41: {  	_ =	shalt  }
0x42: {  	_ =	shalt  }
0x43: {  	_ =	shalt  }
0x44: {  	_ =	shalt  }
0x45: {  	_ =	shalt  }
0x46: {  	_ =	shalt  }
0x47: {  	_ =	shalt  }
0x48: {  	_ =	shalt  }
0x49: {  	_ =	shalt  }
0x4a: {  	_ =	shalt  }
0x4b: {  	_ =	shalt  }
0x4c: {  	_ =	shalt  }
0x4d: {  	_ =	shalt  }
0x4e: {  	_ =	shalt  }
0x4f: {  	_ =	shalt  }
0x50: {  	_ =	shalt  }
0x51: {  	_ =	shalt  }
0x52: {  	_ =	shalt  }
0x53: {  	_ =	shalt  }
0x54: {  	_ =	shalt  }
0x55: {  	_ =	shalt  }
0x56: {  	_ =	shalt  }
0x57: {  	_ =	shalt  }
0x58: {  	_ =	shalt  }
0x59: {  	_ =	shalt  }
0x5a: {  	_ =	shalt  }
0x5b: {  	_ =	shalt  }
0x5c: {  	_ =	shalt  }
0x5d: {  	_ =	shalt  }
0x5e: {  	_ =	shalt  }
0x5f: {  	_ =	shalt  }
0x60: {  	_ =	shalt  }
0x61: {  	_ =	shalt  }
0x62: {  	_ =	shalt  }
0x63: {  	_ =	shalt  }
0x64: {  	_ =	shalt  }
0x65: {  	_ =	shalt  }
0x66: {  	_ =	shalt  }
0x67: {  	_ =	shalt  }
0x68: {  	_ =	shalt  }
0x69: {  	_ =	shalt  }
0x6a: {  	_ =	shalt  }
0x6b: {  	_ =	shalt  }
0x6c: {  	_ =	shalt  }
0x6d: {  	_ =	shalt  }
0x6e: {  	_ =	shalt  }
0x6f: {  	_ =	shalt  }
0x70: {  	_ =	shalt  }
0x71: {  	_ =	shalt  }
0x72: {  	_ =	shalt  }
0x73: {  	_ =	shalt  }
0x74: {  	_ =	shalt  }
0x75: {  	_ =	shalt  }
0x76: {  	_ =	shalt  }
0x77: {  	_ =	shalt  }
0x78: {  	_ =	shalt  }
0x79: {  	_ =	shalt  }
0x7a: {  	_ =	shalt  }
0x7b: {  	_ =	shalt  }
0x7c: {  	_ =	shalt  }
0x7d: {  	_ =	shalt  }
0x7e: {  	_ =	shalt  }
0x7f: {  	_ =	shalt  }
0x80: {  	_ =	shalt  }
0x81: {  	_ =	shalt  }
0x82: {  	_ =	shalt  }
0x83: {  	_ =	shalt  }
0x84: {  	_ =	shalt  }
0x85: {  	_ =	shalt  }
0x86: {  	_ =	shalt  }
0x87: {  	_ =	shalt  }
.Lfunc_end0:
.L_simem_size_0:
called_computation_lowered:
.L_overlay_start_0:
0x88: {  	s2 =	sld [smem:$0x3FD9]  }
0x89: {  	s3 =	sld [smem:$0x3FFE];
	_ =	sdelay $0x1  }
0x8a: {  	s1 =	srdreg.scid  }
0x8b: {  	s0 =	sand.u32 $0x1, s1  }
0x8c: {  	s17 =	sshll.u32 s0, $0xA;
	s2 =	sadd.s32 s3, s2  }
0x8d: {  	s2 =	sadd.s32 s2, s17  }
0x8e: {  	[smem:$0x3FC6] =	sst s2  }
0x8f: {  	_ = 	snop  }
0x90: {  	s2 =	sld [smem:$0x3FC9]  }
0x91: {  	s18 =	sld [smem:$0x3FD0];
	(tm) =	ssettm $0x1  }
0x92: {  	s4 =	sld [smem:$0x3FFB];
	_ =	sdelay $0x3  }
0x93: {  	_ =	strace s4  }
0x94: {  	s4 =	sld [smem:$0x3FFC];
	_ =	sdelay $0x3  }
0x95: {  	_ =	strace s4  }
0x96: {  	s4 =	sld [smem:$0x3FFD];
	_ =	sdelay $0x3  }
0x97: {  	_ =	strace s4  }
0x98: {  	_ =	strace $0x8FFFFFFF  }
0x99: {  	s19 =	sld [smem:$0x3FDB];
	_ =	sdelay $0x1  }
0x9a: {  	s5 =	simm.s32 $_scs_section_size  }
0x9b: {  	s6 =	simm.s32 $_size__tile_overlayer_lowered;
	s7 =	simm.s32 $_tile_overlayer_lowered  }
0x9c: {  	s22 =	simm.s32 $0x1BFF;
	s21 =	sshll.u32 s7, $0x1;
	s4 =	sadd.s32 s5, s19  }
0x9d: {  	s8 =	simm.s32 $0x0;
	s20 =	sshll.u32 s6, $0x1;
	s6 =	sadd.s32 s21, s4  }
0x9e: {  	[timem:s8], [sflag:s22] =	dma.local [hbm:s6], s20  }
0x9f: {  	_ =	swait.ge [sflag:s22], s20  }
0xa0: {  	s5 =	ssub.s32 $0x0, s20;
	[sflag:s22] =	ssyncset.done $0x0  }
0xa1: {  	[sflag:s22] =	ssyncadd.s32 s5;
	_ =	sdelay $0x1  }
0xa2: {  	s23 =	simm.s32 $0x1B8B  }
0xa3: {  	_ =	swait.ge [sflag:s23], $0x1  }
0xa4: {  	[sflag:s23] =	ssyncset.done $0x0  }
0xa5: {  	s25 =	simm.s32 $0x1B8E;
	s24 =	sld [smem:$0x3FFE];
	[sflag:s23] =	ssyncadd.s32 $0xFFFFFFFF  }
0xa6: {  	s26 =	simm.s32 $execute0_lowered;
	[smem:$0x3FD2] =	sst s25  }
0xa7: {  	s6 =	sshll.u32 s26, $0x1;
	_ =	strace $0x80000046;
	[dreg:$0x1] =	wrdreg $0xFFFFFFFF  }
0xa8: {  	s28 =	simm.s32 $_size_execute0_lowered;
	s4 =	sadd.s32 s4, s6;
	[dreg:$0x0] =	wrdreg $0x0  }
0xa9: {  	s6 =	sshll.u32 s28, $0x1;
	[dreg:$0x2] =	wrdreg s4  }
0xaa: {  	[dreg:$0x3] =	wrdreg s6  }
0xab: {  	[dreg:$0x4] =	wrdreg $0xC0  }
0xac: {  	_ =	task [dreg:s8], $0x5FFFF  }
0xad: {  	[dreg:$0x1] =	wrdreg $0xFFFFFFFF  }
0xae: {  	[dreg:$0x0] =	wrdreg $0x60  }
0xaf: {  	[dreg:$0x2] =	wrdreg s2  }
0xb0: {  	[dreg:$0x3] =	wrdreg s24  }
0xb1: {  	[dreg:$0x4] =	wrdreg s18  }
0xb2: {  	[dreg:$0x5] =	wrdreg $0x9  }
0xb3: {  	_ =	task.clear_ibuf [dreg:s8], $0x6FFFF;
	_ =	strace $0x90000046  }
0xb4: {  	s29 =	simm.s32 $0x9;
	_ =	strace $0x80000048  }
0xb5: {  	_ =	swait.ge [sflag:s29], $0x1  }
0xb6: {  	[sflag:s29] =	ssyncadd.s32 $0xFFFFFFFF  }
0xb7: {  	_ =	strace $0x90000048  }
0xb8: {  	_ =	sfence  }
0xb9: {  	s30 =	sld [smem:$0x0];
	_ =	sdelay $0x2  }
0xba: {  	s31 =	sshll.u32 s1, $0xD;
	s1 =	sshrl.u32 s1, $0x2  }
0xbb: {  	s3 =	sand.u32 $0x4000, s31;
	s1 =	sadd.s32 s1, s30  }
0xbc: {  	s0 =	sor.u32 s3, s0;
	s1 =	sshll.u32 s1, $0x11  }
0xbd: {  	s0 =	sor.u32 s1, s0  }
0xbe: {  	s0 =	sadd.s32 $0x8F2B, s0  }
0xbf: {  	[sflag:s0] =	ssyncadd.remote.s32 $0x1  }
0xc0: {  	_ =	sfence.sel $0xFFFF  }
0xc1: {  	[dreg:$0x0] =	wrdreg $0xFFFFFFFF;
	(pc) =	sbr.abs _section_cstart, $3  }
0xc2: {  	[dreg:$0x1] =	wrdreg $0xFFFFFFFF  }
0xc3: {  	_ =	task.clear_ibuf [dreg:s8], $0x2FFFF;
	_ =	strace $0x9FFFFFFF  }
0xc4: {  	(tm) =	ssettm $0x7FFFFFFF  }
0xc5: {  	_ =	shalt  }
tec
execute0_lowered:
.L_overlay_start_1:
0x0: {  	(tag) =	ssettag $0x1  }
0x1: {  	s4 =	rddreg [dreg:$0x0]  }
0x2: {  	s3 =	rddreg [dreg:$0x1]  }
0x3: {  	s7 =	rddreg [dreg:$0x2]  }
0x4: {  	s0 =	rddreg [dreg:$0x3]  }
0x5: {  	s2 =	simm.s32 $0x0;
	s5 =	srdreg.scid;
	s1 =	stileid.u32  }
0x6: {  	s10 =	simm.s32 $0x5;
	s11 =	simm.s32 $0x80;
	s12 =	simm.s32 $0x6400  }
0x7: {  	s13 =	simm.s32 $0x1;
	s14 =	simm.s32 $0xE400;
	s15 =	simm.s32 $0x3  }
0x8: {  	s16 =	simm.s32 $0xA400;
	s17 =	simm.s32 $0x2;
	s18 =	simm.s32 $0x10400  }
0x9: {  	s19 =	simm.s32 $0x4;
	s20 =	simm.s32 $0x0;
	s5 =	sand.u32 $0x1, s5  }
0xa: {  	s8 =	sshll.u32 s1, $0xB;
	s6 =	ssub.s32 $0x2, s5;
	s5 =	sshll.u32 s5, $0xA  }
0xb: {  	[smem:$0x7FF] =	sst s2;
	s3 =	sadd.s32 $0xF42800, s3;
	s5 =	sor.u32 s5, s8  }
0xc: {  	_ =	strace $0x80000047;
	s9 =	sshrl.u32 s6, $0x1;
	s8 =	sshrl.u32 s5, $0x3  }
0xd: {  	s6 =	ssub.s32 s6, s9;
	s31 =	sor.u32 $0x40000, s5;
	s4 =	sadd.s32 s4, s8  }
0xe: {  	s5 =	smax.u32 s6, $0x1;
	s9 =	sshrl.u32 s31, $0x3;
	s6 =	sadd.s32 s8, s7  }
0xf: {  	s8 =	simm.s32 $0x400;
	s7 =	sadd.s32 s9, s7;
	s9 =	simm.s32 $0x8000  }
.LBB2_1:
0x10: {  	[tilespmem:s2], [sflag:$0x5] =	stream.strided.gather [hbm4b:s4+s8], $0x6400, s9, s8, $0x38;
	[tilespmem:$0x12400] =	vst v63  }
0x11: {  	_ =	swait.ge [sflag:s10], $0x6400  }
0x12: {  	[sflag:s10] =	ssyncset.done $0x0  }
0x13: {  	[sflag:s10] =	ssyncadd.s32 $0xFFFF9C00  }
0x14: {  	[tilespmem:s12], [sflag:$0x1] =	stream.indirect.gather [hbm4b:s3+s11], $0x80, s2, s11, $0xb8;
	[tilespmem:$0x12400] =	vst v63  }
0x15: {  	_ =	swait.ge [sflag:s13], $0x4000  }
0x16: {  	[sflag:s13] =	ssyncset.done $0x0  }
0x17: {  	s21 =	sadd.s32 $0x0, s6;
	[sflag:s13] =	ssyncadd.s32 $0xFFFFC000  }
0x18: {  	[hbm4b:s21+s8] =	stream.strided.scatter [tilespmem:s14], [sflag:$0x3], $0x2000, s9, s8, $0x38;
	[tilespmem:$0x12400] =	vst v63  }
0x19: {  	_ =	swait.ge [sflag:s15], $0x2000  }
0x1a: {  	[sflag:s15] =	ssyncset.done $0x0  }
0x1b: {  	s30 =	simm.s32 $0x80;
	[sflag:s15] =	ssyncadd.s32 $0xFFFFE000  }
0x1c: {  	[tilespmem:s16], [sflag:$0x2] =	stream.indirect.gather [hbm4b:s3+s11], $0x80, s30, s11, $0xb8;
	[tilespmem:$0x12400] =	vst v63  }
0x1d: {  	_ =	swait.ge [sflag:s17], $0x4000  }
0x1e: {  	[sflag:s17] =	ssyncset.done $0x0  }
0x1f: {  	s31 =	sadd.s32 $0x0, s7;
	[sflag:s17] =	ssyncadd.s32 $0xFFFFC000  }
0x20: {  	[hbm4b:s31+s8] =	stream.strided.scatter [tilespmem:s18], [sflag:$0x4], $0x2000, s9, s8, $0x38;
	[tilespmem:$0x12400] =	vst v63  }
0x21: {  	_ =	swait.ge [sflag:s19], $0x2000  }
0x22: {  	s22 =	simm.s32 $0x0;
	s21 =	simm.s32 $0x10000;
	[sflag:s19] =	ssyncset.done $0x0  }
.LBB2_2:
0x23: {  	p0 =	sne.s32 s21, $0x630000;
	[sflag:s19] =	ssyncadd.s32 $0xFFFFE000;
	s22 =	sadd.s32 $0x100, s22  }
0x24: {  	[tilespmem:s12], [sflag:$0x1] =	stream.indirect.gather [hbm4b:s3+s11], $0x80, s22, s11, $0xb8;
	[tilespmem:$0x12400] =	vst v63  }
0x25: {  	s23 =	smov.u32 s21;
	s21 =	sadd.s32 $0x10000, s21;
	_ =	swait.ge [sflag:s13], $0x4000  }
0x26: {  	[sflag:s13] =	ssyncset.done $0x0  }
0x27: {  	s24 =	sadd.s32 s23, s6;
	[sflag:s13] =	ssyncadd.s32 $0xFFFFC000  }
0x28: {  	[hbm4b:s24+s8] =	stream.strided.scatter [tilespmem:s14], [sflag:$0x3], $0x2000, s9, s8, $0x38;
	[tilespmem:$0x12400] =	vst v63  }
0x29: {  	_ =	swait.ge [sflag:s15], $0x2000  }
0x2a: {  	[sflag:s15] =	ssyncset.done $0x0  }
0x2b: {  	s24 =	sadd.s32 $0x80, s22;
	[sflag:s15] =	ssyncadd.s32 $0xFFFFE000  }
0x2c: {  	[tilespmem:s16], [sflag:$0x2] =	stream.indirect.gather [hbm4b:s3+s11], $0x80, s24, s11, $0xb8;
	[tilespmem:$0x12400] =	vst v63  }
0x2d: {  	_ =	swait.ge [sflag:s17], $0x4000  }
.Ltmp0:
0x2e: {  	[sflag:s17] =	ssyncset.done $0x0;
	(pc) =	sbr.rel @p0 .LBB2_2-.Ltmp0, $4  }
0x2f: {  	s23 =	sadd.s32 s23, s7;
	[sflag:s17] =	ssyncadd.s32 $0xFFFFC000  }
0x30: {  	[hbm4b:s23+s8] =	stream.strided.scatter [tilespmem:s18], [sflag:$0x4], $0x2000, s9, s8, $0x38;
	[tilespmem:$0x12400] =	vst v63  }
0x31: {  	_ =	swait.ge [sflag:s19], $0x2000  }
0x32: {  	[sflag:s19] =	ssyncset.done $0x0  }
0x33: {  	s20 =	sadd.s32 $0x1, s20  }
0x34: {  	p0 =	sne.s32 s20, s5  }
.Ltmp1:
0x35: {  	_ = 	snop;
	(pc) =	sbr.rel @p0 .LBB2_1-.Ltmp1, $2  }
0x36: {  	_ =	sdelay $0x2  }
0x37: {  	[sflag:s19] =	ssyncadd.s32 $0xFFFFE000  }
0x38: {  	_ =	sfence.sel $0x180000  }
0x39: {  	[bflag:$0x0] =	sbarrier.arrive $0xFFFF  }
0x3a: {  	p0 =	sne.s32 s1, $0x0;
	_ =	strace $0x90000047  }
0x3b: {  	s0 =	sadd.s32 @!p0 $0x100000, s0;
	[bflag:$0x2] =	sbarrier.arrive $0xFFFF  }
0x3c: {  	[sflag:s0] =	ssyncadd.tile.s32 @!p0 $0x1;
	_ =	shalt  }
.Lfunc_end2:
_tile_overlayer_lowered:
.L_overlay_start_2:
0x3d: {  	(tag) =	ssettag $0x2  }
0x3e: {  	s0 =	rddreg [dreg:$0x0];
	s2 =	stileid.u32  }
0x3f: {  	s1 =	rddreg [dreg:$0x1];
	p0 =	sne.s32 s2, $0x0  }
0x40: {  	s3 =	rddreg [dreg:$0x2];
	[bflag:$0x3] =	sbarrier.arrive $0xFFFF;
	s2 =	simm.s32 @!p0 $0x1C05  }
0x41: {  	[timem:s3], [sflag:s2] =	dma.local @!p0 [hbm:s0], s1  }
0x42: {  	s0 =	simm.s32 @!p0 $0x5  }
0x43: {  	_ =	swait.ge @!p0 [sflag:s0], s1  }
0x44: {  	s1 =	ssub.s32 @!p0 $0x0, s1;
	[sflag:s0] =	ssyncset.done @!p0 $0x0  }
0x45: {  	[sflag:s0] =	ssyncadd.s32 @!p0 s1  }
0x46: {  	[bflag:$0x3] =	sbarrier.arrive $0xFFFF  }
0x47: {  	_ =	shalt  }

</sc_bundles>
